<compile_context>
chip_gen: v7x
topology: tpu7x:2x2x1
jax: 0.10.2.dev20260603
libtpu: 0.0.44.dev20260713+nightly
codegen_flags: <defaults>
</compile_context>

<pallas_src>
import functools

import jax
import jax.numpy as jnp
from jax import lax
from jax.experimental import pallas as pl
from jax.experimental.pallas import tpu as pltpu
from jax.experimental.pallas import tpu_sc as plsc

VOCAB = 4096
BATCH = 16384

_NC = 2
_NS = 16
_NW = _NC * _NS
_B_PER_W = BATCH // _NW
_CHUNK = 8
_N_CHUNKS = _B_PER_W // _CHUNK
_NBUF = 3
_N_GROUPS = (_N_CHUNKS - 1) // _NBUF

_mesh = plsc.VectorSubcoreMesh(core_axis_name="c", subcore_axis_name="s")


@functools.partial(
    pl.kernel,
    out_type=jax.ShapeDtypeStruct((BATCH, VOCAB), jnp.float32),
    mesh=_mesh,
    scratch_types=[
        pltpu.VMEM((_B_PER_W,), jnp.int32),
        pltpu.VMEM((_CHUNK, VOCAB), jnp.float32),
        pltpu.VMEM((_CHUNK, VOCAB), jnp.float32),
        pltpu.VMEM((_CHUNK, VOCAB), jnp.float32),
        pltpu.SemaphoreType.DMA,
        pltpu.SemaphoreType.DMA,
        pltpu.SemaphoreType.DMA,
        pltpu.SemaphoreType.DMA,
        pltpu.SemaphoreType.DMA,
        pltpu.SemaphoreType.DMA,
    ],
)
def _gather_rows(lut_hbm, idx_hbm, out_hbm, idx_v, rows0, rows1, rows2,
                 gs0, gs1, gs2, ss0, ss1, ss2):
    wid = lax.axis_index("s") * _NC + lax.axis_index("c")
    base = wid * _B_PER_W
    pltpu.sync_copy(idx_hbm.at[pl.ds(base, _B_PER_W)], idx_v)

    bufs = ((rows0, gs0, ss0), (rows1, gs1, ss1), (rows2, gs2, ss2))

    def gather_start(c, rows, gsem):
        pltpu.async_copy(
            lut_hbm.at[idx_v.at[pl.ds(c * _CHUNK, _CHUNK)]], rows, gsem)

    def gather_wait(rows, gsem):
        pltpu.make_async_copy(
            lut_hbm.at[pl.ds(0, _CHUNK)], rows, gsem).wait()

    def scatter_start(c, rows, ssem):
        pltpu.async_copy(
            rows, out_hbm.at[pl.ds(base + c * _CHUNK, _CHUNK)], ssem)

    def scatter_wait(rows, ssem):
        pltpu.make_async_copy(
            rows, out_hbm.at[pl.ds(base, _CHUNK)], ssem).wait()

    for b, (rows, gsem, _) in enumerate(bufs):
        gather_start(b, rows, gsem)

    def body(p, carry):
        c0 = p * _NBUF
        for b, (rows, gsem, ssem) in enumerate(bufs):
            gather_wait(rows, gsem)
            scatter_start(c0 + b, rows, ssem)
        @pl.when(p < _N_GROUPS - 1)
        def _():
            for b, (rows, gsem, ssem) in enumerate(bufs):
                scatter_wait(rows, ssem)
                gather_start(c0 + _NBUF + b, rows, gsem)
        return carry

    lax.fori_loop(0, _N_GROUPS, body, 0)

    tail = _N_CHUNKS - 1
    rows, gsem, ssem = bufs[0]
    scatter_wait(rows, ssem)
    gather_start(tail, rows, gsem)
    gather_wait(rows, gsem)
    scatter_start(tail, rows, ssem)

    for b, (rows, _, ssem) in enumerate(bufs):
        scatter_wait(rows, ssem)


def kernel(x, lut):
    return _gather_rows(lut, x.astype(jnp.int32))

# --- scband reference (transcript-rebuilt; emitter-appended) ---
"""Pipeline reference for scband-bigram-language-model-32100585571061 (READ-ONLY COPY).

The authoritative reference and input builder live on the scoring server;
editing this copy changes nothing except your own understanding.
"""

import jax, jax.numpy as jnp
import numpy as np

VOCAB = 4096
BATCH = 16384

def setup_inputs(seed: int = 0) -> dict:
    key = jax.random.key(seed)
    k_idx, k_lut = jax.random.split(key)
    x = jax.random.randint(k_idx, (BATCH,), 0, VOCAB, dtype=jnp.int64 if jax.config.jax_enable_x64 else jnp.int32)
    lut = jax.random.normal(k_lut, (VOCAB, VOCAB), dtype=jnp.float32)
    return {"x": x, "lut": lut}

def reference(x, lut):
    # nn.Embedding(vocab, vocab) lookup: gather rows of the bigram logit table
    result = jnp.take(lut, x, axis=0)
    return result

if __name__ == "__main__":
    import jax
    _d = setup_inputs()
    print(jax.jit(kernel)(*tuple(_d.values())))

</pallas_src>

<mosaic_0001>
#map = affine_map<(d0, d1) -> (0, 0)>
#map1 = affine_map<(d0, d1) -> (0)>
module attributes {stable_mosaic.version = 14 : i64} {
  func.func @_gather_rows(%arg0: i32, %arg1: i32, %arg2: memref<4096x4096xf32, #tpu.memory_space<hbm>>, %arg3: memref<16384xi32, #tpu.memory_space<hbm>>, %arg4: memref<16384x4096xf32, #tpu.memory_space<hbm>>, %arg5: memref<512xi32, #tpu.memory_space<vmem>>, %arg6: memref<8x4096xf32, #tpu.memory_space<vmem>>, %arg7: memref<8x4096xf32, #tpu.memory_space<vmem>>, %arg8: memref<8x4096xf32, #tpu.memory_space<vmem>>, %arg9: memref<!tpu.dma_semaphore, #tpu.memory_space<semaphore_mem>>, %arg10: memref<!tpu.dma_semaphore, #tpu.memory_space<semaphore_mem>>, %arg11: memref<!tpu.dma_semaphore, #tpu.memory_space<semaphore_mem>>, %arg12: memref<!tpu.dma_semaphore, #tpu.memory_space<semaphore_mem>>, %arg13: memref<!tpu.dma_semaphore, #tpu.memory_space<semaphore_mem>>, %arg14: memref<!tpu.dma_semaphore, #tpu.memory_space<semaphore_mem>>) attributes {dimension_semantics = [#tpu.dimension_semantics<core_parallel>, #tpu.dimension_semantics<subcore_parallel>], iteration_bounds = array<i64: 2, 16>, scalar_prefetch = 0 : i64, scratch_operands = 10 : i64, tpu.core_type = #tpu.core_type<sc_vector_subcore>, window_params = [{transform_indices = #map}, {transform_indices = #map1}, {transform_indices = #map}]} {
    %mul3A = arith.constant 2 : i32
    %mul3A_0 = arith.muli %arg1, %mul3A : i32
    %add3A = arith.addi %mul3A_0, %arg0 : i32
    %mul3A_1 = arith.constant 512 : i32
    %mul3A_2 = arith.muli %add3A, %mul3A_1 : i32
    "tpu.region"() ({
      %run_scoped3A = tpu.sem_alloc : memref<!tpu.dma_semaphore, #tpu.memory_space<semaphore_mem>>
      %dma_start3A_54 = tpu.memref_slice %arg3[%mul3A_2] : memref<16384xi32, #tpu.memory_space<hbm>> -> memref<512xi32, #tpu.memory_space<hbm>>
      %dma_start3A_55 = tpu.memref_slice %arg3[%mul3A_2] : memref<16384xi32, #tpu.memory_space<hbm>> -> memref<512xi32, #tpu.memory_space<hbm>>
      tpu.enqueue_dma source(%dma_start3A_55 : memref<512xi32, #tpu.memory_space<hbm>>) target(%arg5 : memref<512xi32, #tpu.memory_space<vmem>>) target_semaphore(%run_scoped3A : memref<!tpu.dma_semaphore, #tpu.memory_space<semaphore_mem>>)
      %dma_wait3A_56 = tpu.memref_slice %arg3[%mul3A_2] : memref<16384xi32, #tpu.memory_space<hbm>> -> memref<512xi32, #tpu.memory_space<hbm>>
      %dma_wait3A_57 = tpu.memref_slice %arg3[%mul3A_2] : memref<16384xi32, #tpu.memory_space<hbm>> -> memref<512xi32, #tpu.memory_space<hbm>>
      tpu.wait_dma2 semaphore(%run_scoped3A : memref<!tpu.dma_semaphore, #tpu.memory_space<semaphore_mem>>) src(%dma_wait3A_57 : memref<512xi32, #tpu.memory_space<hbm>>) dst(%arg5 : memref<512xi32, #tpu.memory_space<vmem>>)
      tpu.yield
    }) : () -> ()
    %dma_start3A = arith.constant 0 : i32
    %dma_start3A_3 = tpu.memref_slice %arg5[%dma_start3A] : memref<512xi32, #tpu.memory_space<vmem>> -> memref<8xi32, #tpu.memory_space<vmem>>
    %dma_start3A_4 = arith.constant 0 : i32
    %dma_start3A_5 = arith.constant 0 : i32
    %dma_start3A_6 = tpu.memref_slice %arg2[%dma_start3A_4, %dma_start3A_5] : memref<4096x4096xf32, #tpu.memory_space<hbm>> -> memref<4096x4096xf32, #tpu.memory_space<hbm>>
    tpu.enqueue_indirect_dma source(%dma_start3A_6 : memref<4096x4096xf32, #tpu.memory_space<hbm>>) target(%arg6 : memref<8x4096xf32, #tpu.memory_space<vmem>>) offsets(%dma_start3A_3 : memref<8xi32, #tpu.memory_space<vmem>>) semaphore(%arg9 : memref<!tpu.dma_semaphore, #tpu.memory_space<semaphore_mem>>)
    %dma_start3A_7 = arith.constant 8 : i32
    %dma_start3A_8 = tpu.memref_slice %arg5[%dma_start3A_7] : memref<512xi32, #tpu.memory_space<vmem>> -> memref<8xi32, #tpu.memory_space<vmem>>
    %dma_start3A_9 = arith.constant 0 : i32
    %dma_start3A_10 = arith.constant 0 : i32
    %dma_start3A_11 = tpu.memref_slice %arg2[%dma_start3A_9, %dma_start3A_10] : memref<4096x4096xf32, #tpu.memory_space<hbm>> -> memref<4096x4096xf32, #tpu.memory_space<hbm>>
    tpu.enqueue_indirect_dma source(%dma_start3A_11 : memref<4096x4096xf32, #tpu.memory_space<hbm>>) target(%arg7 : memref<8x4096xf32, #tpu.memory_space<vmem>>) offsets(%dma_start3A_8 : memref<8xi32, #tpu.memory_space<vmem>>) semaphore(%arg10 : memref<!tpu.dma_semaphore, #tpu.memory_space<semaphore_mem>>)
    %dma_start3A_12 = arith.constant 16 : i32
    %dma_start3A_13 = tpu.memref_slice %arg5[%dma_start3A_12] : memref<512xi32, #tpu.memory_space<vmem>> -> memref<8xi32, #tpu.memory_space<vmem>>
    %dma_start3A_14 = arith.constant 0 : i32
    %dma_start3A_15 = arith.constant 0 : i32
    %dma_start3A_16 = tpu.memref_slice %arg2[%dma_start3A_14, %dma_start3A_15] : memref<4096x4096xf32, #tpu.memory_space<hbm>> -> memref<4096x4096xf32, #tpu.memory_space<hbm>>
    tpu.enqueue_indirect_dma source(%dma_start3A_16 : memref<4096x4096xf32, #tpu.memory_space<hbm>>) target(%arg8 : memref<8x4096xf32, #tpu.memory_space<vmem>>) offsets(%dma_start3A_13 : memref<8xi32, #tpu.memory_space<vmem>>) semaphore(%arg11 : memref<!tpu.dma_semaphore, #tpu.memory_space<semaphore_mem>>)
    %scan3A = arith.constant 0 : i32
    %scan3A_17 = arith.constant 0 : i32
    %scan3A_18 = arith.constant 21 : i32
    %scan3A_19 = arith.addi %scan3A_17, %scan3A_18 : i32
    %scan3A_20 = arith.constant 1 : i32
    scf.for %scan3A_54 = %scan3A_17 to %scan3A_19 step %scan3A_20  : i32 {
      %mul3A_55 = arith.constant 3 : i32
      %mul3A_56 = arith.muli %scan3A_54, %mul3A_55 : i32
      %dma_wait3A_57 = arith.constant 0 : i32
      %dma_wait3A_58 = arith.constant 0 : i32
      %dma_wait3A_59 = tpu.memref_slice %arg2[%dma_wait3A_57, %dma_wait3A_58] : memref<4096x4096xf32, #tpu.memory_space<hbm>> -> memref<8x4096xf32, #tpu.memory_space<hbm>>
      %dma_wait3A_60 = arith.constant 0 : i32
      %dma_wait3A_61 = arith.constant 0 : i32
      %dma_wait3A_62 = tpu.memref_slice %arg2[%dma_wait3A_60, %dma_wait3A_61] : memref<4096x4096xf32, #tpu.memory_space<hbm>> -> memref<8x4096xf32, #tpu.memory_space<hbm>>
      tpu.wait_dma2 semaphore(%arg9 : memref<!tpu.dma_semaphore, #tpu.memory_space<semaphore_mem>>) src(%dma_wait3A_62 : memref<8x4096xf32, #tpu.memory_space<hbm>>) dst(%arg6 : memref<8x4096xf32, #tpu.memory_space<vmem>>)
      %add3A_63 = arith.constant 0 : i32
      %add3A_64 = arith.addi %mul3A_56, %add3A_63 : i32
      %mul3A_65 = arith.constant 8 : i32
      %mul3A_66 = arith.muli %add3A_64, %mul3A_65 : i32
      %add3A_67 = arith.addi %mul3A_2, %mul3A_66 : i32
      %dma_start3A_68 = arith.constant 0 : i32
      %dma_start3A_69 = tpu.memref_slice %arg4[%add3A_67, %dma_start3A_68] : memref<16384x4096xf32, #tpu.memory_space<hbm>> -> memref<8x4096xf32, #tpu.memory_space<hbm>>
      %dma_start3A_70 = arith.constant 0 : i32
      %dma_start3A_71 = tpu.memref_slice %arg4[%add3A_67, %dma_start3A_70] : memref<16384x4096xf32, #tpu.memory_space<hbm>> -> memref<8x4096xf32, #tpu.memory_space<hbm>>
      tpu.enqueue_dma source(%arg6 : memref<8x4096xf32, #tpu.memory_space<vmem>>) target(%dma_start3A_71 : memref<8x4096xf32, #tpu.memory_space<hbm>>) target_semaphore(%arg12 : memref<!tpu.dma_semaphore, #tpu.memory_space<semaphore_mem>>)
      %dma_wait3A_72 = arith.constant 0 : i32
      %dma_wait3A_73 = arith.constant 0 : i32
      %dma_wait3A_74 = tpu.memref_slice %arg2[%dma_wait3A_72, %dma_wait3A_73] : memref<4096x4096xf32, #tpu.memory_space<hbm>> -> memref<8x4096xf32, #tpu.memory_space<hbm>>
      %dma_wait3A_75 = arith.constant 0 : i32
      %dma_wait3A_76 = arith.constant 0 : i32
      %dma_wait3A_77 = tpu.memref_slice %arg2[%dma_wait3A_75, %dma_wait3A_76] : memref<4096x4096xf32, #tpu.memory_space<hbm>> -> memref<8x4096xf32, #tpu.memory_space<hbm>>
      tpu.wait_dma2 semaphore(%arg10 : memref<!tpu.dma_semaphore, #tpu.memory_space<semaphore_mem>>) src(%dma_wait3A_77 : memref<8x4096xf32, #tpu.memory_space<hbm>>) dst(%arg7 : memref<8x4096xf32, #tpu.memory_space<vmem>>)
      %add3A_78 = arith.constant 1 : i32
      %add3A_79 = arith.addi %mul3A_56, %add3A_78 : i32
      %mul3A_80 = arith.constant 8 : i32
      %mul3A_81 = arith.muli %add3A_79, %mul3A_80 : i32
      %add3A_82 = arith.addi %mul3A_2, %mul3A_81 : i32
      %dma_start3A_83 = arith.constant 0 : i32
      %dma_start3A_84 = tpu.memref_slice %arg4[%add3A_82, %dma_start3A_83] : memref<16384x4096xf32, #tpu.memory_space<hbm>> -> memref<8x4096xf32, #tpu.memory_space<hbm>>
      %dma_start3A_85 = arith.constant 0 : i32
      %dma_start3A_86 = tpu.memref_slice %arg4[%add3A_82, %dma_start3A_85] : memref<16384x4096xf32, #tpu.memory_space<hbm>> -> memref<8x4096xf32, #tpu.memory_space<hbm>>
      tpu.enqueue_dma source(%arg7 : memref<8x4096xf32, #tpu.memory_space<vmem>>) target(%dma_start3A_86 : memref<8x4096xf32, #tpu.memory_space<hbm>>) target_semaphore(%arg13 : memref<!tpu.dma_semaphore, #tpu.memory_space<semaphore_mem>>)
      %dma_wait3A_87 = arith.constant 0 : i32
      %dma_wait3A_88 = arith.constant 0 : i32
      %dma_wait3A_89 = tpu.memref_slice %arg2[%dma_wait3A_87, %dma_wait3A_88] : memref<4096x4096xf32, #tpu.memory_space<hbm>> -> memref<8x4096xf32, #tpu.memory_space<hbm>>
      %dma_wait3A_90 = arith.constant 0 : i32
      %dma_wait3A_91 = arith.constant 0 : i32
      %dma_wait3A_92 = tpu.memref_slice %arg2[%dma_wait3A_90, %dma_wait3A_91] : memref<4096x4096xf32, #tpu.memory_space<hbm>> -> memref<8x4096xf32, #tpu.memory_space<hbm>>
      tpu.wait_dma2 semaphore(%arg11 : memref<!tpu.dma_semaphore, #tpu.memory_space<semaphore_mem>>) src(%dma_wait3A_92 : memref<8x4096xf32, #tpu.memory_space<hbm>>) dst(%arg8 : memref<8x4096xf32, #tpu.memory_space<vmem>>)
      %add3A_93 = arith.constant 2 : i32
      %add3A_94 = arith.addi %mul3A_56, %add3A_93 : i32
      %mul3A_95 = arith.constant 8 : i32
      %mul3A_96 = arith.muli %add3A_94, %mul3A_95 : i32
      %add3A_97 = arith.addi %mul3A_2, %mul3A_96 : i32
      %dma_start3A_98 = arith.constant 0 : i32
      %dma_start3A_99 = tpu.memref_slice %arg4[%add3A_97, %dma_start3A_98] : memref<16384x4096xf32, #tpu.memory_space<hbm>> -> memref<8x4096xf32, #tpu.memory_space<hbm>>
      %dma_start3A_100 = arith.constant 0 : i32
      %dma_start3A_101 = tpu.memref_slice %arg4[%add3A_97, %dma_start3A_100] : memref<16384x4096xf32, #tpu.memory_space<hbm>> -> memref<8x4096xf32, #tpu.memory_space<hbm>>
      tpu.enqueue_dma source(%arg8 : memref<8x4096xf32, #tpu.memory_space<vmem>>) target(%dma_start3A_101 : memref<8x4096xf32, #tpu.memory_space<hbm>>) target_semaphore(%arg14 : memref<!tpu.dma_semaphore, #tpu.memory_space<semaphore_mem>>)
      %lt3A = arith.constant 20 : i32
      %lt3A_102 = arith.cmpi slt, %scan3A_54, %lt3A : i32
      %convert_element_type3A = arith.extui %lt3A_102 : i1 to i32
      %cond3A = arith.constant 0 : i32
      %cond3A_103 = arith.cmpi ne, %convert_element_type3A, %cond3A : i32
      scf.if %cond3A_103 {
        %dma_wait3A_104 = arith.constant 0 : i32
        %dma_wait3A_105 = tpu.memref_slice %arg4[%mul3A_2, %dma_wait3A_104] : memref<16384x4096xf32, #tpu.memory_space<hbm>> -> memref<8x4096xf32, #tpu.memory_space<hbm>>
        %dma_wait3A_106 = arith.constant 0 : i32
        %dma_wait3A_107 = tpu.memref_slice %arg4[%mul3A_2, %dma_wait3A_106] : memref<16384x4096xf32, #tpu.memory_space<hbm>> -> memref<8x4096xf32, #tpu.memory_space<hbm>>
        tpu.wait_dma2 semaphore(%arg12 : memref<!tpu.dma_semaphore, #tpu.memory_space<semaphore_mem>>) src(%arg6 : memref<8x4096xf32, #tpu.memory_space<vmem>>) dst(%dma_wait3A_107 : memref<8x4096xf32, #tpu.memory_space<hbm>>)
        %add3A_108 = arith.constant 3 : i32
        %add3A_109 = arith.addi %mul3A_56, %add3A_108 : i32
        %add3A_110 = arith.constant 0 : i32
        %add3A_111 = arith.addi %add3A_109, %add3A_110 : i32
        %mul3A_112 = arith.constant 8 : i32
        %mul3A_113 = arith.muli %add3A_111, %mul3A_112 : i32
        %dma_start3A_114 = tpu.memref_slice %arg5[%mul3A_113] : memref<512xi32, #tpu.memory_space<vmem>> -> memref<8xi32, #tpu.memory_space<vmem>>
        %dma_start3A_115 = arith.constant 0 : i32
        %dma_start3A_116 = arith.constant 0 : i32
        %dma_start3A_117 = tpu.memref_slice %arg2[%dma_start3A_115, %dma_start3A_116] : memref<4096x4096xf32, #tpu.memory_space<hbm>> -> memref<4096x4096xf32, #tpu.memory_space<hbm>>
        tpu.enqueue_indirect_dma source(%dma_start3A_117 : memref<4096x4096xf32, #tpu.memory_space<hbm>>) target(%arg6 : memref<8x4096xf32, #tpu.memory_space<vmem>>) offsets(%dma_start3A_114 : memref<8xi32, #tpu.memory_space<vmem>>) semaphore(%arg9 : memref<!tpu.dma_semaphore, #tpu.memory_space<semaphore_mem>>)
        %dma_wait3A_118 = arith.constant 0 : i32
        %dma_wait3A_119 = tpu.memref_slice %arg4[%mul3A_2, %dma_wait3A_118] : memref<16384x4096xf32, #tpu.memory_space<hbm>> -> memref<8x4096xf32, #tpu.memory_space<hbm>>
        %dma_wait3A_120 = arith.constant 0 : i32
        %dma_wait3A_121 = tpu.memref_slice %arg4[%mul3A_2, %dma_wait3A_120] : memref<16384x4096xf32, #tpu.memory_space<hbm>> -> memref<8x4096xf32, #tpu.memory_space<hbm>>
        tpu.wait_dma2 semaphore(%arg13 : memref<!tpu.dma_semaphore, #tpu.memory_space<semaphore_mem>>) src(%arg7 : memref<8x4096xf32, #tpu.memory_space<vmem>>) dst(%dma_wait3A_121 : memref<8x4096xf32, #tpu.memory_space<hbm>>)
        %add3A_122 = arith.constant 3 : i32
        %add3A_123 = arith.addi %mul3A_56, %add3A_122 : i32
        %add3A_124 = arith.constant 1 : i32
        %add3A_125 = arith.addi %add3A_123, %add3A_124 : i32
        %mul3A_126 = arith.constant 8 : i32
        %mul3A_127 = arith.muli %add3A_125, %mul3A_126 : i32
        %dma_start3A_128 = tpu.memref_slice %arg5[%mul3A_127] : memref<512xi32, #tpu.memory_space<vmem>> -> memref<8xi32, #tpu.memory_space<vmem>>
        %dma_start3A_129 = arith.constant 0 : i32
        %dma_start3A_130 = arith.constant 0 : i32
        %dma_start3A_131 = tpu.memref_slice %arg2[%dma_start3A_129, %dma_start3A_130] : memref<4096x4096xf32, #tpu.memory_space<hbm>> -> memref<4096x4096xf32, #tpu.memory_space<hbm>>
        tpu.enqueue_indirect_dma source(%dma_start3A_131 : memref<4096x4096xf32, #tpu.memory_space<hbm>>) target(%arg7 : memref<8x4096xf32, #tpu.memory_space<vmem>>) offsets(%dma_start3A_128 : memref<8xi32, #tpu.memory_space<vmem>>) semaphore(%arg10 : memref<!tpu.dma_semaphore, #tpu.memory_space<semaphore_mem>>)
        %dma_wait3A_132 = arith.constant 0 : i32
        %dma_wait3A_133 = tpu.memref_slice %arg4[%mul3A_2, %dma_wait3A_132] : memref<16384x4096xf32, #tpu.memory_space<hbm>> -> memref<8x4096xf32, #tpu.memory_space<hbm>>
        %dma_wait3A_134 = arith.constant 0 : i32
        %dma_wait3A_135 = tpu.memref_slice %arg4[%mul3A_2, %dma_wait3A_134] : memref<16384x4096xf32, #tpu.memory_space<hbm>> -> memref<8x4096xf32, #tpu.memory_space<hbm>>
        tpu.wait_dma2 semaphore(%arg14 : memref<!tpu.dma_semaphore, #tpu.memory_space<semaphore_mem>>) src(%arg8 : memref<8x4096xf32, #tpu.memory_space<vmem>>) dst(%dma_wait3A_135 : memref<8x4096xf32, #tpu.memory_space<hbm>>)
        %add3A_136 = arith.constant 3 : i32
        %add3A_137 = arith.addi %mul3A_56, %add3A_136 : i32
        %add3A_138 = arith.constant 2 : i32
        %add3A_139 = arith.addi %add3A_137, %add3A_138 : i32
        %mul3A_140 = arith.constant 8 : i32
        %mul3A_141 = arith.muli %add3A_139, %mul3A_140 : i32
        %dma_start3A_142 = tpu.memref_slice %arg5[%mul3A_141] : memref<512xi32, #tpu.memory_space<vmem>> -> memref<8xi32, #tpu.memory_space<vmem>>
        %dma_start3A_143 = arith.constant 0 : i32
        %dma_start3A_144 = arith.constant 0 : i32
        %dma_start3A_145 = tpu.memref_slice %arg2[%dma_start3A_143, %dma_start3A_144] : memref<4096x4096xf32, #tpu.memory_space<hbm>> -> memref<4096x4096xf32, #tpu.memory_space<hbm>>
        tpu.enqueue_indirect_dma source(%dma_start3A_145 : memref<4096x4096xf32, #tpu.memory_space<hbm>>) target(%arg8 : memref<8x4096xf32, #tpu.memory_space<vmem>>) offsets(%dma_start3A_142 : memref<8xi32, #tpu.memory_space<vmem>>) semaphore(%arg11 : memref<!tpu.dma_semaphore, #tpu.memory_space<semaphore_mem>>)
      } else {
      }
    }
    %scan3A_21 = arith.constant 21 : i32
    %dma_wait3A = arith.constant 0 : i32
    %dma_wait3A_22 = tpu.memref_slice %arg4[%mul3A_2, %dma_wait3A] : memref<16384x4096xf32, #tpu.memory_space<hbm>> -> memref<8x4096xf32, #tpu.memory_space<hbm>>
    %dma_wait3A_23 = arith.constant 0 : i32
    %dma_wait3A_24 = tpu.memref_slice %arg4[%mul3A_2, %dma_wait3A_23] : memref<16384x4096xf32, #tpu.memory_space<hbm>> -> memref<8x4096xf32, #tpu.memory_space<hbm>>
    tpu.wait_dma2 semaphore(%arg12 : memref<!tpu.dma_semaphore, #tpu.memory_space<semaphore_mem>>) src(%arg6 : memref<8x4096xf32, #tpu.memory_space<vmem>>) dst(%dma_wait3A_24 : memref<8x4096xf32, #tpu.memory_space<hbm>>)
    %dma_start3A_25 = arith.constant 504 : i32
    %dma_start3A_26 = tpu.memref_slice %arg5[%dma_start3A_25] : memref<512xi32, #tpu.memory_space<vmem>> -> memref<8xi32, #tpu.memory_space<vmem>>
    %dma_start3A_27 = arith.constant 0 : i32
    %dma_start3A_28 = arith.constant 0 : i32
    %dma_start3A_29 = tpu.memref_slice %arg2[%dma_start3A_27, %dma_start3A_28] : memref<4096x4096xf32, #tpu.memory_space<hbm>> -> memref<4096x4096xf32, #tpu.memory_space<hbm>>
    tpu.enqueue_indirect_dma source(%dma_start3A_29 : memref<4096x4096xf32, #tpu.memory_space<hbm>>) target(%arg6 : memref<8x4096xf32, #tpu.memory_space<vmem>>) offsets(%dma_start3A_26 : memref<8xi32, #tpu.memory_space<vmem>>) semaphore(%arg9 : memref<!tpu.dma_semaphore, #tpu.memory_space<semaphore_mem>>)
    %dma_wait3A_30 = arith.constant 0 : i32
    %dma_wait3A_31 = arith.constant 0 : i32
    %dma_wait3A_32 = tpu.memref_slice %arg2[%dma_wait3A_30, %dma_wait3A_31] : memref<4096x4096xf32, #tpu.memory_space<hbm>> -> memref<8x4096xf32, #tpu.memory_space<hbm>>
    %dma_wait3A_33 = arith.constant 0 : i32
    %dma_wait3A_34 = arith.constant 0 : i32
    %dma_wait3A_35 = tpu.memref_slice %arg2[%dma_wait3A_33, %dma_wait3A_34] : memref<4096x4096xf32, #tpu.memory_space<hbm>> -> memref<8x4096xf32, #tpu.memory_space<hbm>>
    tpu.wait_dma2 semaphore(%arg9 : memref<!tpu.dma_semaphore, #tpu.memory_space<semaphore_mem>>) src(%dma_wait3A_35 : memref<8x4096xf32, #tpu.memory_space<hbm>>) dst(%arg6 : memref<8x4096xf32, #tpu.memory_space<vmem>>)
    %add3A_36 = arith.constant 504 : i32
    %add3A_37 = arith.addi %mul3A_2, %add3A_36 : i32
    %dma_start3A_38 = arith.constant 0 : i32
    %dma_start3A_39 = tpu.memref_slice %arg4[%add3A_37, %dma_start3A_38] : memref<16384x4096xf32, #tpu.memory_space<hbm>> -> memref<8x4096xf32, #tpu.memory_space<hbm>>
    %dma_start3A_40 = arith.constant 0 : i32
    %dma_start3A_41 = tpu.memref_slice %arg4[%add3A_37, %dma_start3A_40] : memref<16384x4096xf32, #tpu.memory_space<hbm>> -> memref<8x4096xf32, #tpu.memory_space<hbm>>
    tpu.enqueue_dma source(%arg6 : memref<8x4096xf32, #tpu.memory_space<vmem>>) target(%dma_start3A_41 : memref<8x4096xf32, #tpu.memory_space<hbm>>) target_semaphore(%arg12 : memref<!tpu.dma_semaphore, #tpu.memory_space<semaphore_mem>>)
    %dma_wait3A_42 = arith.constant 0 : i32
    %dma_wait3A_43 = tpu.memref_slice %arg4[%mul3A_2, %dma_wait3A_42] : memref<16384x4096xf32, #tpu.memory_space<hbm>> -> memref<8x4096xf32, #tpu.memory_space<hbm>>
    %dma_wait3A_44 = arith.constant 0 : i32
    %dma_wait3A_45 = tpu.memref_slice %arg4[%mul3A_2, %dma_wait3A_44] : memref<16384x4096xf32, #tpu.memory_space<hbm>> -> memref<8x4096xf32, #tpu.memory_space<hbm>>
    tpu.wait_dma2 semaphore(%arg12 : memref<!tpu.dma_semaphore, #tpu.memory_space<semaphore_mem>>) src(%arg6 : memref<8x4096xf32, #tpu.memory_space<vmem>>) dst(%dma_wait3A_45 : memref<8x4096xf32, #tpu.memory_space<hbm>>)
    %dma_wait3A_46 = arith.constant 0 : i32
    %dma_wait3A_47 = tpu.memref_slice %arg4[%mul3A_2, %dma_wait3A_46] : memref<16384x4096xf32, #tpu.memory_space<hbm>> -> memref<8x4096xf32, #tpu.memory_space<hbm>>
    %dma_wait3A_48 = arith.constant 0 : i32
    %dma_wait3A_49 = tpu.memref_slice %arg4[%mul3A_2, %dma_wait3A_48] : memref<16384x4096xf32, #tpu.memory_space<hbm>> -> memref<8x4096xf32, #tpu.memory_space<hbm>>
    tpu.wait_dma2 semaphore(%arg13 : memref<!tpu.dma_semaphore, #tpu.memory_space<semaphore_mem>>) src(%arg7 : memref<8x4096xf32, #tpu.memory_space<vmem>>) dst(%dma_wait3A_49 : memref<8x4096xf32, #tpu.memory_space<hbm>>)
    %dma_wait3A_50 = arith.constant 0 : i32
    %dma_wait3A_51 = tpu.memref_slice %arg4[%mul3A_2, %dma_wait3A_50] : memref<16384x4096xf32, #tpu.memory_space<hbm>> -> memref<8x4096xf32, #tpu.memory_space<hbm>>
    %dma_wait3A_52 = arith.constant 0 : i32
    %dma_wait3A_53 = tpu.memref_slice %arg4[%mul3A_2, %dma_wait3A_52] : memref<16384x4096xf32, #tpu.memory_space<hbm>> -> memref<8x4096xf32, #tpu.memory_space<hbm>>
    tpu.wait_dma2 semaphore(%arg14 : memref<!tpu.dma_semaphore, #tpu.memory_space<semaphore_mem>>) src(%arg8 : memref<8x4096xf32, #tpu.memory_space<vmem>>) dst(%dma_wait3A_53 : memref<8x4096xf32, #tpu.memory_space<hbm>>)
    return
  }
}

</mosaic_0001>

<sc_bundles>
// kernel: kernel.3.cloned.1.call-start
scs
__scs_entry_jumppad:
0x0: {  	(pc) =	sbr.rel $0x88, $3  }
0x1: {  	(tag) =	ssettag $0x0;
	lr =	simm.s32 $0x1  }
0x2: {  	[smem:$0x3F9F] =	sst lr;
	_ =	strace $0xD0000000  }
0x3: {  	_ = 	snop  }
0x4: {  	_ = 	snop  }
0x5: {  	_ = 	snop  }
0x6: {  	_ = 	snop  }
0x7: {  	_ = 	snop  }
__scs_overlays_trampoline_lowered:
0x8: {  	[smem:$0x3FAE] =	sst s0  }
0x9: {  	[smem:$0x3FAF] =	sst s1  }
0xa: {  	[smem:$0x3FB0] =	sst s2  }
0xb: {  	[smem:$0x3FB1] =	sst s3  }
0xc: {  	[smem:$0x3FB2] =	sst s4  }
0xd: {  	[smem:$0x3FB3] =	sst s5  }
0xe: {  	[smem:$0x3FB4] =	sst s6  }
0xf: {  	[smem:$0x3FB5] =	sst s7  }
0x10: {  	[smem:$0x3FB6] =	sst s8  }
0x11: {  	[smem:$0x3FB7] =	sst s9;
	s0 =	simm.s32 @!p0 $0x0  }
0x12: {  	s1 =	sld [smem:$0x3F9D];
	s0 =	simm.s32 @p0 $0x1  }
0x13: {  	[smem:$0x3FB8] =	sst s0;
	s0 =	simm.s32 @!p1 $0x0  }
0x14: {  	s2 =	sld [smem:$0x3F9C];
	s0 =	simm.s32 @p1 $0x1  }
0x15: {  	[smem:$0x3FB9] =	sst s0;
	s0 =	simm.s32 @!p2 $0x0  }
0x16: {  	s3 =	sld [smem:$0x3FDB];
	s0 =	simm.s32 @p2 $0x1  }
0x17: {  	s4 =	simm.s32 $0x1BF5;
	[smem:$0x3FBB] =	sst s0  }
0x18: {  	s0 =	sld [smem:$0x3F9E];
	_ =	swait.ge [sflag:s4], $0x0  }
0x19: {  	s7 =	sld [smem:$0x3F9F]  }
0x1a: {  	s8 =	sadd.s32 $0xFFFFE003, lr  }
0x1b: {  	s9 =	sadd.s32 $0xFFFFFEF7, lr;
	s5 =	simm.s32 $0xFFFFFFFF;
	p2 =	slt.u32 s8, $0xFFFFF086  }
0x1c: {  	p1 =	slt.u32 s9, $0xF7A;
	s5 =	simm.s32 @!p2 $0x0  }
0x1d: {  	s5 =	simm.s32 @p1 $0x1;
	p0 =	seq.s32 s7, s2  }
0x1e: {  	s7 =	smul.u32 @!p0 $0xF7A, s2;
	p2 =	seq.s32 @!p0 s5, $0x0  }
0x1f: {  	s9 =	smul.u32 $0xF7A, s1;
	s8 =	simm.s32 @!p0 $0x1BF5;
	p2 =	por !p2, p0  }
0x20: {  	[sflag:s8] =	ssyncset.s32 @!p0 $0xFFFFF086;
	s6 =	sadd.s32 @!p0 s3, s7;
	s7 =	simm.s32 @!p0 $0x108  }
0x21: {  	s3 =	sadd.s32 s3, s9;
	s6 =	sadd.s32 @!p0 $0x88, s6;
	s7 =	simm.s32 @p2 $0x1082  }
0x22: {  	[simem:s7], [sflag:s8] =	dma.local @!p0 [hbm:s6], $0xF7A  }
0x23: {  	s9 =	sor.u32 $0xD0000000, s2;
	s6 =	simm.s32 $0x108;
	_ =	swait.ge @!p0 [sflag:s8], $0x0  }
0x24: {  	s3 =	sadd.s32 $0x88, s3;
	s6 =	simm.s32 @!p1 $0x1082;
	[sflag:s4] =	ssyncset.s32 $0xFFFFF086  }
0x25: {  	[simem:s6], [sflag:s4] =	dma.local [hbm:s3], $0xF7A  }
0x26: {  	[smem:$0x3F9F] =	sst s1;
	(tag) =	ssettag s2;
	_ =	strace s9  }
0x27: {  	s1 =	sld [smem:$0x3FAF]  }
0x28: {  	s2 =	sld [smem:$0x3FB0]  }
0x29: {  	s4 =	sld [smem:$0x3FB2]  }
0x2a: {  	p0 =	seq.s32 s5, $0x0;
	s5 =	sld [smem:$0x3FB3]  }
0x2b: {  	s6 =	sld [smem:$0x3FB4]  }
0x2c: {  	s7 =	sld [smem:$0x3FB5]  }
0x2d: {  	s3 =	simm.s32 $0x108;
	s8 =	sld [smem:$0x3FB6]  }
0x2e: {  	s3 =	simm.s32 @!p0 $0x1082;
	s9 =	sld [smem:$0x3FB7]  }
0x2f: {  	lr =	sadd.s32 s0, s3;
	s0 =	sld [smem:$0x3FAE]  }
0x30: {  	s3 =	sld [smem:$0x3FB1]  }
0x31: {  	[smem:$0x3FBA] =	sst s10  }
0x32: {  	s10 =	sld [smem:$0x3FB8];
	_ =	sdelay $0x3  }
0x33: {  	p0 =	seq.s32 s10, $0x1;
	s10 =	sld [smem:$0x3FBA];
	_ =	sdelay $0x3  }
0x34: {  	[smem:$0x3FBA] =	sst s10  }
0x35: {  	s10 =	sld [smem:$0x3FB9];
	_ =	sdelay $0x3  }
0x36: {  	p1 =	seq.s32 s10, $0x1;
	s10 =	sld [smem:$0x3FBA];
	_ =	sdelay $0x3  }
0x37: {  	[smem:$0x3FBA] =	sst s10  }
0x38: {  	s10 =	sld [smem:$0x3FBB]  }
0x39: {  	_ = 	snop;
	(pc) =	sbr.ind lr, $3  }
0x3a: {  	_ = 	snop  }
0x3b: {  	_ = 	snop  }
0x3c: {  	p2 =	seq.s32 s10, $0x1;
	s10 =	sld [smem:$0x3FBA]  }
0x3d: {  	_ =	shalt  }
0x3e: {  	_ =	shalt  }
0x3f: {  	_ =	shalt  }
0x40: {  	_ =	shalt  }
0x41: {  	_ =	shalt  }
0x42: {  	_ =	shalt  }
0x43: {  	_ =	shalt  }
0x44: {  	_ =	shalt  }
0x45: {  	_ =	shalt  }
0x46: {  	_ =	shalt  }
0x47: {  	_ =	shalt  }
0x48: {  	_ =	shalt  }
0x49: {  	_ =	shalt  }
0x4a: {  	_ =	shalt  }
0x4b: {  	_ =	shalt  }
0x4c: {  	_ =	shalt  }
0x4d: {  	_ =	shalt  }
0x4e: {  	_ =	shalt  }
0x4f: {  	_ =	shalt  }
0x50: {  	_ =	shalt  }
0x51: {  	_ =	shalt  }
0x52: {  	_ =	shalt  }
0x53: {  	_ =	shalt  }
0x54: {  	_ =	shalt  }
0x55: {  	_ =	shalt  }
0x56: {  	_ =	shalt  }
0x57: {  	_ =	shalt  }
0x58: {  	_ =	shalt  }
0x59: {  	_ =	shalt  }
0x5a: {  	_ =	shalt  }
0x5b: {  	_ =	shalt  }
0x5c: {  	_ =	shalt  }
0x5d: {  	_ =	shalt  }
0x5e: {  	_ =	shalt  }
0x5f: {  	_ =	shalt  }
0x60: {  	_ =	shalt  }
0x61: {  	_ =	shalt  }
0x62: {  	_ =	shalt  }
0x63: {  	_ =	shalt  }
0x64: {  	_ =	shalt  }
0x65: {  	_ =	shalt  }
0x66: {  	_ =	shalt  }
0x67: {  	_ =	shalt  }
0x68: {  	_ =	shalt  }
0x69: {  	_ =	shalt  }
0x6a: {  	_ =	shalt  }
0x6b: {  	_ =	shalt  }
0x6c: {  	_ =	shalt  }
0x6d: {  	_ =	shalt  }
0x6e: {  	_ =	shalt  }
0x6f: {  	_ =	shalt  }
0x70: {  	_ =	shalt  }
0x71: {  	_ =	shalt  }
0x72: {  	_ =	shalt  }
0x73: {  	_ =	shalt  }
0x74: {  	_ =	shalt  }
0x75: {  	_ =	shalt  }
0x76: {  	_ =	shalt  }
0x77: {  	_ =	shalt  }
0x78: {  	_ =	shalt  }
0x79: {  	_ =	shalt  }
0x7a: {  	_ =	shalt  }
0x7b: {  	_ =	shalt  }
0x7c: {  	_ =	shalt  }
0x7d: {  	_ =	shalt  }
0x7e: {  	_ =	shalt  }
0x7f: {  	_ =	shalt  }
0x80: {  	_ =	shalt  }
0x81: {  	_ =	shalt  }
0x82: {  	_ =	shalt  }
0x83: {  	_ =	shalt  }
0x84: {  	_ =	shalt  }
0x85: {  	_ =	shalt  }
0x86: {  	_ =	shalt  }
0x87: {  	_ =	shalt  }
.Lfunc_end0:
.L_simem_size_0:
called_computation_lowered:
.L_overlay_start_0:
0x88: {  	s2 =	sld [smem:$0x3FD9]  }
0x89: {  	s3 =	sld [smem:$0x3FFE];
	_ =	sdelay $0x1  }
0x8a: {  	s1 =	srdreg.scid  }
0x8b: {  	s0 =	sand.u32 $0x1, s1  }
0x8c: {  	s18 =	sshll.u32 s0, $0xA;
	s2 =	sadd.s32 s3, s2  }
0x8d: {  	s2 =	sadd.s32 s2, s18  }
0x8e: {  	[smem:$0x3FC6] =	sst s2  }
0x8f: {  	_ = 	snop  }
0x90: {  	s2 =	sld [smem:$0x3FC9]  }
0x91: {  	s19 =	sld [smem:$0x3FC8]  }
0x92: {  	s4 =	sld [smem:$0x3FD0];
	(tm) =	ssettm $0x1  }
0x93: {  	s5 =	sld [smem:$0x3FFB];
	_ =	sdelay $0x3  }
0x94: {  	_ =	strace s5  }
0x95: {  	s5 =	sld [smem:$0x3FFC];
	_ =	sdelay $0x3  }
0x96: {  	_ =	strace s5  }
0x97: {  	s5 =	sld [smem:$0x3FFD];
	_ =	sdelay $0x3  }
0x98: {  	_ =	strace s5  }
0x99: {  	_ =	strace $0x8FFFFFFF  }
0x9a: {  	s20 =	sld [smem:$0x3FDB];
	_ =	sdelay $0x1  }
0x9b: {  	s6 =	simm.s32 $_scs_section_size  }
0x9c: {  	s7 =	simm.s32 $_size__tile_overlayer_lowered;
	s8 =	simm.s32 $_tile_overlayer_lowered  }
0x9d: {  	s23 =	simm.s32 $0x1BFF;
	s22 =	sshll.u32 s8, $0x1;
	s5 =	sadd.s32 s6, s20  }
0x9e: {  	s9 =	simm.s32 $0x0;
	s21 =	sshll.u32 s7, $0x1;
	s7 =	sadd.s32 s22, s5  }
0x9f: {  	[timem:s9], [sflag:s23] =	dma.local [hbm:s7], s21  }
0xa0: {  	_ =	swait.ge [sflag:s23], s21  }
0xa1: {  	s6 =	ssub.s32 $0x0, s21;
	[sflag:s23] =	ssyncset.done $0x0  }
0xa2: {  	[sflag:s23] =	ssyncadd.s32 s6;
	_ =	sdelay $0x1  }
0xa3: {  	s24 =	simm.s32 $0x1B8B  }
0xa4: {  	_ =	swait.ge [sflag:s24], $0x1  }
0xa5: {  	[sflag:s24] =	ssyncset.done $0x0  }
0xa6: {  	s25 =	simm.s32 $0x1B8E;
	[sflag:s24] =	ssyncadd.s32 $0xFFFFFFFF  }
0xa7: {  	s26 =	simm.s32 $execute0_lowered;
	[smem:$0x3FD2] =	sst s25  }
0xa8: {  	s6 =	sshll.u32 s26, $0x1;
	_ =	strace $0x80000046;
	[dreg:$0x1] =	wrdreg $0xFFFFFFFF  }
0xa9: {  	s28 =	simm.s32 $_size_execute0_lowered;
	s5 =	sadd.s32 s5, s6;
	[dreg:$0x0] =	wrdreg $0x0  }
0xaa: {  	s6 =	sshll.u32 s28, $0x1;
	[dreg:$0x2] =	wrdreg s5  }
0xab: {  	[dreg:$0x3] =	wrdreg s6  }
0xac: {  	[dreg:$0x4] =	wrdreg $0xC0  }
0xad: {  	_ =	task [dreg:s9], $0x5FFFF  }
0xae: {  	[dreg:$0x1] =	wrdreg $0xFFFFFFFF  }
0xaf: {  	[dreg:$0x0] =	wrdreg $0x60  }
0xb0: {  	[dreg:$0x2] =	wrdreg s19  }
0xb1: {  	[dreg:$0x3] =	wrdreg s2  }
0xb2: {  	[dreg:$0x4] =	wrdreg s4  }
0xb3: {  	[dreg:$0x5] =	wrdreg $0x9  }
0xb4: {  	_ =	task.clear_ibuf [dreg:s9], $0x6FFFF;
	_ =	strace $0x90000046  }
0xb5: {  	s29 =	simm.s32 $0x9;
	_ =	strace $0x80000048  }
0xb6: {  	_ =	swait.ge [sflag:s29], $0x1  }
0xb7: {  	[sflag:s29] =	ssyncadd.s32 $0xFFFFFFFF  }
0xb8: {  	_ =	strace $0x90000048  }
0xb9: {  	_ =	sfence  }
0xba: {  	s30 =	sld [smem:$0x0];
	_ =	sdelay $0x2  }
0xbb: {  	s31 =	sshll.u32 s1, $0xD;
	s1 =	sshrl.u32 s1, $0x2  }
0xbc: {  	s3 =	sand.u32 $0x4000, s31;
	s1 =	sadd.s32 s1, s30  }
0xbd: {  	s0 =	sor.u32 s3, s0;
	s1 =	sshll.u32 s1, $0x11  }
0xbe: {  	s0 =	sor.u32 s1, s0  }
0xbf: {  	s0 =	sadd.s32 $0x8F2B, s0  }
0xc0: {  	[sflag:s0] =	ssyncadd.remote.s32 $0x1  }
0xc1: {  	_ =	sfence.sel $0xFFFF  }
0xc2: {  	[dreg:$0x0] =	wrdreg $0xFFFFFFFF;
	(pc) =	sbr.abs _section_cstart, $3  }
0xc3: {  	[dreg:$0x1] =	wrdreg $0xFFFFFFFF  }
0xc4: {  	_ =	task.clear_ibuf [dreg:s9], $0x2FFFF;
	_ =	strace $0x9FFFFFFF  }
0xc5: {  	(tm) =	ssettm $0x7FFFFFFF  }
tec
execute0_lowered:
.L_overlay_start_1:
0x0: {  	(tag) =	ssettag $0x1  }
0x1: {  	s1 =	rddreg [dreg:$0x0]  }
0x2: {  	s0 =	rddreg [dreg:$0x1]  }
0x3: {  	s2 =	rddreg [dreg:$0x2]  }
0x4: {  	s3 =	srdreg.scid;
	s21 =	stileid.u32;
	s30 =	simm.s32 $0x2200  }
0x5: {  	s28 =	simm.s32 $0x8200;
	s29 =	simm.s32 $0x10200;
	s31 =	simm.s32 $0x2  }
0x6: {  	s22 =	simm.s32 $0x5;
	s4 =	sand.u32 $0x1, s3;
	s3 =	simm.s32 $0x0  }
0x7: {  	s5 =	sshll.u32 s21, $0xA;
	s8 =	sadd.s32 $0x400, s1;
	s9 =	sadd.s32 $0x500, s1  }
0x8: {  	s10 =	sadd.s32 $0x600, s1;
	s11 =	sadd.s32 $0x700, s1;
	s12 =	sadd.s32 $0x800, s1  }
0x9: {  	s13 =	sadd.s32 $0x900, s1;
	s14 =	sadd.s32 $0xA00, s1;
	s15 =	sadd.s32 $0xB00, s1  }
0xa: {  	s16 =	sadd.s32 $0xC00, s1;
	s18 =	sadd.s32 $0xE00, s1;
	s19 =	sadd.s32 $0xF00, s1  }
0xb: {  	s25 =	sshll.u32 s21, $0x13;
	s21 =	simm.s32 $0x3;
	s6 =	sshll.u32 s4, $0x9  }
0xc: {  	[smem:$0x7FF] =	sst s3;
	s7 =	ssub.s32 $0x2, s4;
	s26 =	sshll.u32 s4, $0x12  }
0xd: {  	s4 =	simm.s32 $0x0;
	s17 =	sor.u32 s6, s5;
	_ =	strace $0x80000047  }
0xe: {  	s23 =	sshrl.u32 s7, $0x1;
	s5 =	sadd.s32 $0x100, s1;
	[dreg:$0x8] =	wrdreg s4  }
0xf: {  	s6 =	sshrl.u32 s17, $0x3;
	s20 =	ssub.s32 s7, s23;
	s7 =	sadd.s32 $0x300, s1  }
0x10: {  	s24 =	sshll.u32 s17, $0x9;
	s17 =	sadd.s32 $0xD00, s1;
	s23 =	simm.s32 $0x7A00  }
0x11: {  	s0 =	sadd.s32 s0, s6;
	s6 =	sadd.s32 $0x200, s1;
	s20 =	smax.u32 s20, $0x1  }
.Ltmp0:
0x12: {  	[dreg:$0x4] =	wrdreg s0;
	s0 =	sadd.s32 s24, s2;
	(pc) =	sbr.rel .LBB2_1-.Ltmp0, $4  }
0x13: {  	[dreg:$0x6] =	wrdreg s20;
	s24 =	simm.s32 $0x200;
	s0 =	sadd.s32 $0x3F000, s0  }
0x14: {  	v0 =	vlaneseq.u32;
	s20 =	simm.s32 $0x1;
	[dreg:$0x5] =	wrdreg s0;
	s0 =	sadd.s32 s25, s2  }
0x15: {  	v1 =	vshrl.u32 v0, $0x3;
	s25 =	simm.s32 $0xA00;
	s2 =	simm.s32 $0x6;
	s0 =	sadd.s32 s26, s0  }
0x16: {  	vm0 =	vmmov $0xffff;
	v0 =	vand.u32 $0x7, v0;
	v1 =	vmul.u32 $0x8, v1;
	s26 =	simm.s32 $0x3200;
	[dreg:$0x7] =	wrdreg s0;
	s0 =	simm.s32 $0x4  }
.LBB2_4:
0x17: {  	v2 =	vld.msk [tilespmem:$0x1F8], $0xff;
	_ =	sdelay $0x4  }
0x18: {  	v3 =	vshll.u32 v2, $0x5  }
0x19: {  	v2 =	vand.u32 $0x7, v2;
	v3 =	vand.u32 $0xFFFFFF00, v3  }
0x1a: {  	v2 =	vor.u32 v2, v3  }
0x1b: {  	v2 =	vperm.xlane v2, v0;
	_ =	sdelay $0x1  }
0x1c: {  	v2 =	vadd.s32 v1, v2;
	_ =	sdelay $0x4  }
0x1d: {  	[tilespmem:s24], [sflag:$0x1] =	stream.indirect_vreg.gather [hbm4b:s1+s3], $0x80, v2, vm0, $0xb8;
	[tilespmem:$0x18200] =	vst v63  }
0x1e: {  	s4 =	simm.s32 $0xA00  }
0x1f: {  	[tilespmem:s4], [sflag:$0x1] =	stream.indirect_vreg.gather [hbm4b:s5+s3], $0x80, v2, vm0, $0xb8;
	[tilespmem:$0x18200] =	vst v63  }
0x20: {  	s23 =	simm.s32 $0x1200  }
0x21: {  	[tilespmem:s23], [sflag:$0x1] =	stream.indirect_vreg.gather [hbm4b:s6+s3], $0x80, v2, vm0, $0xb8;
	[tilespmem:$0x18200] =	vst v63  }
0x22: {  	s25 =	simm.s32 $0x1A00  }
0x23: {  	[tilespmem:s25], [sflag:$0x1] =	stream.indirect_vreg.gather [hbm4b:s7+s3], $0x80, v2, vm0, $0xb8;
	[tilespmem:$0x18200] =	vst v63  }
0x24: {  	_ = 	snop  }
0x25: {  	[tilespmem:s30], [sflag:$0x1] =	stream.indirect_vreg.gather [hbm4b:s8+s3], $0x80, v2, vm0, $0xb8;
	[tilespmem:$0x18200] =	vst v63  }
0x26: {  	s23 =	simm.s32 $0x2A00  }
0x27: {  	[tilespmem:s23], [sflag:$0x1] =	stream.indirect_vreg.gather [hbm4b:s9+s3], $0x80, v2, vm0, $0xb8;
	[tilespmem:$0x18200] =	vst v63  }
0x28: {  	_ = 	snop  }
0x29: {  	[tilespmem:s26], [sflag:$0x1] =	stream.indirect_vreg.gather [hbm4b:s10+s3], $0x80, v2, vm0, $0xb8;
	[tilespmem:$0x18200] =	vst v63  }
0x2a: {  	s25 =	simm.s32 $0x3A00  }
0x2b: {  	[tilespmem:s25], [sflag:$0x1] =	stream.indirect_vreg.gather [hbm4b:s11+s3], $0x80, v2, vm0, $0xb8;
	[tilespmem:$0x18200] =	vst v63  }
0x2c: {  	s23 =	simm.s32 $0x4200  }
0x2d: {  	[tilespmem:s23], [sflag:$0x1] =	stream.indirect_vreg.gather [hbm4b:s12+s3], $0x80, v2, vm0, $0xb8;
	[tilespmem:$0x18200] =	vst v63  }
0x2e: {  	s25 =	simm.s32 $0x4A00  }
0x2f: {  	[tilespmem:s25], [sflag:$0x1] =	stream.indirect_vreg.gather [hbm4b:s13+s3], $0x80, v2, vm0, $0xb8;
	[tilespmem:$0x18200] =	vst v63  }
0x30: {  	s23 =	simm.s32 $0x5200  }
0x31: {  	[tilespmem:s23], [sflag:$0x1] =	stream.indirect_vreg.gather [hbm4b:s14+s3], $0x80, v2, vm0, $0xb8;
	[tilespmem:$0x18200] =	vst v63  }
0x32: {  	s25 =	simm.s32 $0x5A00  }
0x33: {  	[tilespmem:s25], [sflag:$0x1] =	stream.indirect_vreg.gather [hbm4b:s15+s3], $0x80, v2, vm0, $0xb8;
	[tilespmem:$0x18200] =	vst v63  }
0x34: {  	s23 =	simm.s32 $0x6200  }
0x35: {  	[tilespmem:s23], [sflag:$0x1] =	stream.indirect_vreg.gather [hbm4b:s16+s3], $0x80, v2, vm0, $0xb8;
	[tilespmem:$0x18200] =	vst v63  }
0x36: {  	s25 =	simm.s32 $0x6A00  }
0x37: {  	[tilespmem:s25], [sflag:$0x1] =	stream.indirect_vreg.gather [hbm4b:s17+s3], $0x80, v2, vm0, $0xb8;
	[tilespmem:$0x18200] =	vst v63  }
0x38: {  	s23 =	simm.s32 $0x7200  }
0x39: {  	[tilespmem:s23], [sflag:$0x1] =	stream.indirect_vreg.gather [hbm4b:s18+s3], $0x80, v2, vm0, $0xb8;
	[tilespmem:$0x18200] =	vst v63  }
0x3a: {  	s23 =	simm.s32 $0x7A00  }
0x3b: {  	[tilespmem:s23], [sflag:$0x1] =	stream.indirect_vreg.gather [hbm4b:s19+s3], $0x80, v2, vm0, $0xb8;
	[tilespmem:$0x18200] =	vst v63  }
0x3c: {  	_ =	swait.ge [sflag:s20], $0x8000  }
0x3d: {  	[sflag:s20] =	ssyncset.done $0x0  }
0x3e: {  	s25 =	rddreg [dreg:$0x5];
	[sflag:s20] =	ssyncadd.s32 $0xFFFF8000  }
0x3f: {  	[hbm4b:s25+s3] =	stream.linear.scatter [tilespmem:s24], [sflag:$0x4], $0x8000, $0x38;
	[tilespmem:$0x18200] =	vst v63  }
0x40: {  	_ =	swait.ge [sflag:s0], $0x8000  }
0x41: {  	[sflag:s0] =	ssyncset.done $0x0  }
0x42: {  	[sflag:s0] =	ssyncadd.s32 $0xFFFF8000  }
0x43: {  	_ =	swait.ge [sflag:s22], $0x8000  }
0x44: {  	[sflag:s22] =	ssyncset.done $0x0  }
0x45: {  	[sflag:s22] =	ssyncadd.s32 $0xFFFF8000  }
0x46: {  	_ =	swait.ge [sflag:s2], $0x8000  }
0x47: {  	s25 =	rddreg [dreg:$0x8]  }
0x48: {  	s4 =	rddreg [dreg:$0x6];
	s25 =	sadd.s32 $0x1, s25  }
0x49: {  	p0 =	sne.s32 s25, s4  }
.Ltmp1:
0x4a: {  	_ = 	snop;
	(pc) =	sbr.rel @!p0 .LBB2_5-.Ltmp1, $3  }
0x4b: {  	_ =	sdelay $0x1  }
0x4c: {  	[sflag:s2] =	ssyncset.done $0x0  }
0x4d: {  	[sflag:s2] =	ssyncadd.s32 $0xFFFF8000;
	[dreg:$0x8] =	wrdreg s25;
	s25 =	simm.s32 $0xA00  }
.LBB2_1:
0x4e: {  	s4 =	rddreg [dreg:$0x4]  }
0x4f: {  	[tilespmem:s3], [sflag:$0x7] =	stream.linear.gather [hbm4b:s4+s3], $0x200, $0x38;
	[tilespmem:$0x18200] =	vst v63  }
0x50: {  	s4 =	simm.s32 $0x7  }
0x51: {  	_ =	swait.ge [sflag:s4], $0x200  }
0x52: {  	[sflag:s4] =	ssyncset.done $0x0  }
0x53: {  	[sflag:s4] =	ssyncadd.s32 $0xFFFFFE00  }
0x54: {  	v2 =	vld.msk [tilespmem:$0x0], $0xff;
	_ =	sdelay $0x4  }
0x55: {  	v3 =	vshll.u32 v2, $0x5  }
0x56: {  	v2 =	vand.u32 $0x7, v2;
	v3 =	vand.u32 $0xFFFFFF00, v3  }
0x57: {  	v2 =	vor.u32 v2, v3  }
0x58: {  	v2 =	vperm.xlane v2, v0;
	_ =	sdelay $0x1  }
0x59: {  	v2 =	vadd.s32 v1, v2;
	_ =	sdelay $0x4  }
0x5a: {  	[tilespmem:s24], [sflag:$0x1] =	stream.indirect_vreg.gather [hbm4b:s1+s3], $0x80, v2, vm0, $0xb8;
	[tilespmem:$0x18200] =	vst v63  }
0x5b: {  	_ = 	snop  }
0x5c: {  	[tilespmem:s25], [sflag:$0x1] =	stream.indirect_vreg.gather [hbm4b:s5+s3], $0x80, v2, vm0, $0xb8;
	[tilespmem:$0x18200] =	vst v63  }
0x5d: {  	s25 =	simm.s32 $0x1200  }
0x5e: {  	[tilespmem:s25], [sflag:$0x1] =	stream.indirect_vreg.gather [hbm4b:s6+s3], $0x80, v2, vm0, $0xb8;
	[tilespmem:$0x18200] =	vst v63  }
0x5f: {  	s4 =	simm.s32 $0x1A00  }
0x60: {  	[tilespmem:s4], [sflag:$0x1] =	stream.indirect_vreg.gather [hbm4b:s7+s3], $0x80, v2, vm0, $0xb8;
	[tilespmem:$0x18200] =	vst v63  }
0x61: {  	_ = 	snop  }
0x62: {  	[tilespmem:s30], [sflag:$0x1] =	stream.indirect_vreg.gather [hbm4b:s8+s3], $0x80, v2, vm0, $0xb8;
	[tilespmem:$0x18200] =	vst v63  }
0x63: {  	s25 =	simm.s32 $0x2A00  }
0x64: {  	[tilespmem:s25], [sflag:$0x1] =	stream.indirect_vreg.gather [hbm4b:s9+s3], $0x80, v2, vm0, $0xb8;
	[tilespmem:$0x18200] =	vst v63  }
0x65: {  	_ = 	snop  }
0x66: {  	[tilespmem:s26], [sflag:$0x1] =	stream.indirect_vreg.gather [hbm4b:s10+s3], $0x80, v2, vm0, $0xb8;
	[tilespmem:$0x18200] =	vst v63  }
0x67: {  	s24 =	simm.s32 $0x3A00  }
0x68: {  	[tilespmem:s24], [sflag:$0x1] =	stream.indirect_vreg.gather [hbm4b:s11+s3], $0x80, v2, vm0, $0xb8;
	[tilespmem:$0x18200] =	vst v63  }
0x69: {  	s25 =	simm.s32 $0x4200  }
0x6a: {  	[tilespmem:s25], [sflag:$0x1] =	stream.indirect_vreg.gather [hbm4b:s12+s3], $0x80, v2, vm0, $0xb8;
	[tilespmem:$0x18200] =	vst v63  }
0x6b: {  	s24 =	simm.s32 $0x4A00  }
0x6c: {  	[tilespmem:s24], [sflag:$0x1] =	stream.indirect_vreg.gather [hbm4b:s13+s3], $0x80, v2, vm0, $0xb8;
	[tilespmem:$0x18200] =	vst v63  }
0x6d: {  	s25 =	simm.s32 $0x5200  }
0x6e: {  	[tilespmem:s25], [sflag:$0x1] =	stream.indirect_vreg.gather [hbm4b:s14+s3], $0x80, v2, vm0, $0xb8;
	[tilespmem:$0x18200] =	vst v63  }
0x6f: {  	s24 =	simm.s32 $0x5A00  }
0x70: {  	[tilespmem:s24], [sflag:$0x1] =	stream.indirect_vreg.gather [hbm4b:s15+s3], $0x80, v2, vm0, $0xb8;
	[tilespmem:$0x18200] =	vst v63  }
0x71: {  	s25 =	simm.s32 $0x6200  }
0x72: {  	[tilespmem:s25], [sflag:$0x1] =	stream.indirect_vreg.gather [hbm4b:s16+s3], $0x80, v2, vm0, $0xb8;
	[tilespmem:$0x18200] =	vst v63  }
0x73: {  	s24 =	simm.s32 $0x6A00  }
0x74: {  	[tilespmem:s24], [sflag:$0x1] =	stream.indirect_vreg.gather [hbm4b:s17+s3], $0x80, v2, vm0, $0xb8;
	[tilespmem:$0x18200] =	vst v63  }
0x75: {  	s25 =	simm.s32 $0x7200  }
0x76: {  	[tilespmem:s25], [sflag:$0x1] =	stream.indirect_vreg.gather [hbm4b:s18+s3], $0x80, v2, vm0, $0xb8;
	[tilespmem:$0x18200] =	vst v63  }
0x77: {  	_ = 	snop  }
0x78: {  	[tilespmem:s23], [sflag:$0x1] =	stream.indirect_vreg.gather [hbm4b:s19+s3], $0x80, v2, vm0, $0xb8;
	[tilespmem:$0x18200] =	vst v63  }
0x79: {  	v2 =	vld.msk [tilespmem:$0x8], $0xff;
	_ =	sdelay $0x4  }
0x7a: {  	v3 =	vshll.u32 v2, $0x5  }
0x7b: {  	v2 =	vand.u32 $0x7, v2;
	v3 =	vand.u32 $0xFFFFFF00, v3  }
0x7c: {  	v2 =	vor.u32 v2, v3  }
0x7d: {  	v2 =	vperm.xlane v2, v0;
	_ =	sdelay $0x1  }
0x7e: {  	v2 =	vadd.s32 v1, v2;
	_ =	sdelay $0x4  }
0x7f: {  	[tilespmem:s28], [sflag:$0x2] =	stream.indirect_vreg.gather [hbm4b:s1+s3], $0x80, v2, vm0, $0xb8;
	[tilespmem:$0x18200] =	vst v63  }
0x80: {  	s23 =	simm.s32 $0x8A00  }
0x81: {  	[tilespmem:s23], [sflag:$0x2] =	stream.indirect_vreg.gather [hbm4b:s5+s3], $0x80, v2, vm0, $0xb8;
	[tilespmem:$0x18200] =	vst v63  }
0x82: {  	s24 =	simm.s32 $0x9200  }
0x83: {  	[tilespmem:s24], [sflag:$0x2] =	stream.indirect_vreg.gather [hbm4b:s6+s3], $0x80, v2, vm0, $0xb8;
	[tilespmem:$0x18200] =	vst v63  }
0x84: {  	s25 =	simm.s32 $0x9A00  }
0x85: {  	[tilespmem:s25], [sflag:$0x2] =	stream.indirect_vreg.gather [hbm4b:s7+s3], $0x80, v2, vm0, $0xb8;
	[tilespmem:$0x18200] =	vst v63  }
0x86: {  	s23 =	simm.s32 $0xA200  }
0x87: {  	[tilespmem:s23], [sflag:$0x2] =	stream.indirect_vreg.gather [hbm4b:s8+s3], $0x80, v2, vm0, $0xb8;
	[tilespmem:$0x18200] =	vst v63  }
0x88: {  	s24 =	simm.s32 $0xAA00  }
0x89: {  	[tilespmem:s24], [sflag:$0x2] =	stream.indirect_vreg.gather [hbm4b:s9+s3], $0x80, v2, vm0, $0xb8;
	[tilespmem:$0x18200] =	vst v63  }
0x8a: {  	s25 =	simm.s32 $0xB200  }
0x8b: {  	[tilespmem:s25], [sflag:$0x2] =	stream.indirect_vreg.gather [hbm4b:s10+s3], $0x80, v2, vm0, $0xb8;
	[tilespmem:$0x18200] =	vst v63  }
0x8c: {  	s23 =	simm.s32 $0xBA00  }
0x8d: {  	[tilespmem:s23], [sflag:$0x2] =	stream.indirect_vreg.gather [hbm4b:s11+s3], $0x80, v2, vm0, $0xb8;
	[tilespmem:$0x18200] =	vst v63  }
0x8e: {  	s24 =	simm.s32 $0xC200  }
0x8f: {  	[tilespmem:s24], [sflag:$0x2] =	stream.indirect_vreg.gather [hbm4b:s12+s3], $0x80, v2, vm0, $0xb8;
	[tilespmem:$0x18200] =	vst v63  }
0x90: {  	s25 =	simm.s32 $0xCA00  }
0x91: {  	[tilespmem:s25], [sflag:$0x2] =	stream.indirect_vreg.gather [hbm4b:s13+s3], $0x80, v2, vm0, $0xb8;
	[tilespmem:$0x18200] =	vst v63  }
0x92: {  	s23 =	simm.s32 $0xD200  }
0x93: {  	[tilespmem:s23], [sflag:$0x2] =	stream.indirect_vreg.gather [hbm4b:s14+s3], $0x80, v2, vm0, $0xb8;
	[tilespmem:$0x18200] =	vst v63  }
0x94: {  	s24 =	simm.s32 $0xDA00  }
0x95: {  	[tilespmem:s24], [sflag:$0x2] =	stream.indirect_vreg.gather [hbm4b:s15+s3], $0x80, v2, vm0, $0xb8;
	[tilespmem:$0x18200] =	vst v63  }
0x96: {  	s25 =	simm.s32 $0xE200  }
0x97: {  	[tilespmem:s25], [sflag:$0x2] =	stream.indirect_vreg.gather [hbm4b:s16+s3], $0x80, v2, vm0, $0xb8;
	[tilespmem:$0x18200] =	vst v63  }
0x98: {  	s23 =	simm.s32 $0xEA00  }
0x99: {  	[tilespmem:s23], [sflag:$0x2] =	stream.indirect_vreg.gather [hbm4b:s17+s3], $0x80, v2, vm0, $0xb8;
	[tilespmem:$0x18200] =	vst v63  }
0x9a: {  	s24 =	simm.s32 $0xF200  }
0x9b: {  	[tilespmem:s24], [sflag:$0x2] =	stream.indirect_vreg.gather [hbm4b:s18+s3], $0x80, v2, vm0, $0xb8;
	[tilespmem:$0x18200] =	vst v63  }
0x9c: {  	s25 =	simm.s32 $0xFA00  }
0x9d: {  	[tilespmem:s25], [sflag:$0x2] =	stream.indirect_vreg.gather [hbm4b:s19+s3], $0x80, v2, vm0, $0xb8;
	[tilespmem:$0x18200] =	vst v63  }
0x9e: {  	v2 =	vld.msk [tilespmem:$0x10], $0xff;
	_ =	sdelay $0x4  }
0x9f: {  	v3 =	vshll.u32 v2, $0x5  }
0xa0: {  	v2 =	vand.u32 $0x7, v2;
	v3 =	vand.u32 $0xFFFFFF00, v3  }
0xa1: {  	v2 =	vor.u32 v2, v3  }
0xa2: {  	v2 =	vperm.xlane v2, v0;
	_ =	sdelay $0x1  }
0xa3: {  	v2 =	vadd.s32 v1, v2;
	_ =	sdelay $0x4  }
0xa4: {  	[tilespmem:s29], [sflag:$0x3] =	stream.indirect_vreg.gather [hbm4b:s1+s3], $0x80, v2, vm0, $0xb8;
	[tilespmem:$0x18200] =	vst v63  }
0xa5: {  	s23 =	simm.s32 $0x10A00  }
0xa6: {  	[tilespmem:s23], [sflag:$0x3] =	stream.indirect_vreg.gather [hbm4b:s5+s3], $0x80, v2, vm0, $0xb8;
	[tilespmem:$0x18200] =	vst v63  }
0xa7: {  	s24 =	simm.s32 $0x11200  }
0xa8: {  	[tilespmem:s24], [sflag:$0x3] =	stream.indirect_vreg.gather [hbm4b:s6+s3], $0x80, v2, vm0, $0xb8;
	[tilespmem:$0x18200] =	vst v63  }
0xa9: {  	s25 =	simm.s32 $0x11A00  }
0xaa: {  	[tilespmem:s25], [sflag:$0x3] =	stream.indirect_vreg.gather [hbm4b:s7+s3], $0x80, v2, vm0, $0xb8;
	[tilespmem:$0x18200] =	vst v63  }
0xab: {  	s23 =	simm.s32 $0x12200  }
0xac: {  	[tilespmem:s23], [sflag:$0x3] =	stream.indirect_vreg.gather [hbm4b:s8+s3], $0x80, v2, vm0, $0xb8;
	[tilespmem:$0x18200] =	vst v63  }
0xad: {  	s24 =	simm.s32 $0x12A00  }
0xae: {  	[tilespmem:s24], [sflag:$0x3] =	stream.indirect_vreg.gather [hbm4b:s9+s3], $0x80, v2, vm0, $0xb8;
	[tilespmem:$0x18200] =	vst v63  }
0xaf: {  	s25 =	simm.s32 $0x13200  }
0xb0: {  	[tilespmem:s25], [sflag:$0x3] =	stream.indirect_vreg.gather [hbm4b:s10+s3], $0x80, v2, vm0, $0xb8;
	[tilespmem:$0x18200] =	vst v63  }
0xb1: {  	s23 =	simm.s32 $0x13A00  }
0xb2: {  	[tilespmem:s23], [sflag:$0x3] =	stream.indirect_vreg.gather [hbm4b:s11+s3], $0x80, v2, vm0, $0xb8;
	[tilespmem:$0x18200] =	vst v63  }
0xb3: {  	s24 =	simm.s32 $0x14200  }
0xb4: {  	[tilespmem:s24], [sflag:$0x3] =	stream.indirect_vreg.gather [hbm4b:s12+s3], $0x80, v2, vm0, $0xb8;
	[tilespmem:$0x18200] =	vst v63  }
0xb5: {  	s25 =	simm.s32 $0x14A00  }
0xb6: {  	[tilespmem:s25], [sflag:$0x3] =	stream.indirect_vreg.gather [hbm4b:s13+s3], $0x80, v2, vm0, $0xb8;
	[tilespmem:$0x18200] =	vst v63  }
0xb7: {  	s23 =	simm.s32 $0x15200  }
0xb8: {  	[tilespmem:s23], [sflag:$0x3] =	stream.indirect_vreg.gather [hbm4b:s14+s3], $0x80, v2, vm0, $0xb8;
	[tilespmem:$0x18200] =	vst v63  }
0xb9: {  	s24 =	simm.s32 $0x15A00  }
0xba: {  	[tilespmem:s24], [sflag:$0x3] =	stream.indirect_vreg.gather [hbm4b:s15+s3], $0x80, v2, vm0, $0xb8;
	[tilespmem:$0x18200] =	vst v63  }
0xbb: {  	s25 =	simm.s32 $0x16200  }
0xbc: {  	[tilespmem:s25], [sflag:$0x3] =	stream.indirect_vreg.gather [hbm4b:s16+s3], $0x80, v2, vm0, $0xb8;
	[tilespmem:$0x18200] =	vst v63  }
0xbd: {  	s23 =	simm.s32 $0x16A00  }
0xbe: {  	[tilespmem:s23], [sflag:$0x3] =	stream.indirect_vreg.gather [hbm4b:s17+s3], $0x80, v2, vm0, $0xb8;
	[tilespmem:$0x18200] =	vst v63  }
0xbf: {  	s24 =	simm.s32 $0x17200  }
0xc0: {  	[tilespmem:s24], [sflag:$0x3] =	stream.indirect_vreg.gather [hbm4b:s18+s3], $0x80, v2, vm0, $0xb8;
	[tilespmem:$0x18200] =	vst v63  }
0xc1: {  	s25 =	simm.s32 $0x17A00  }
0xc2: {  	[tilespmem:s25], [sflag:$0x3] =	stream.indirect_vreg.gather [hbm4b:s19+s3], $0x80, v2, vm0, $0xb8;
	[tilespmem:$0x18200] =	vst v63  }
0xc3: {  	s23 =	simm.s32 $0x0;
	s25 =	rddreg [dreg:$0x7]  }
.LBB2_2:
0xc4: {  	_ =	swait.ge [sflag:s20], $0x8000  }
0xc5: {  	[sflag:s20] =	ssyncset.done $0x0  }
0xc6: {  	s24 =	simm.s32 $0x200;
	[sflag:s20] =	ssyncadd.s32 $0xFFFF8000  }
0xc7: {  	[hbm4b:s25+s3] =	stream.linear.scatter [tilespmem:s24], [sflag:$0x4], $0x8000, $0x38;
	[tilespmem:$0x18200] =	vst v63  }
0xc8: {  	_ =	swait.ge [sflag:s31], $0x8000  }
0xc9: {  	[sflag:s31] =	ssyncset.done $0x0  }
0xca: {  	s4 =	sadd.s32 $0x1000, s25;
	[sflag:s31] =	ssyncadd.s32 $0xFFFF8000  }
0xcb: {  	[hbm4b:s4+s3] =	stream.linear.scatter [tilespmem:s28], [sflag:$0x5], $0x8000, $0x38;
	[tilespmem:$0x18200] =	vst v63  }
0xcc: {  	_ =	swait.ge [sflag:s21], $0x8000  }
0xcd: {  	p0 =	seq.s32 s23, $0x780;
	[sflag:s21] =	ssyncset.done $0x0  }
.Ltmp2:
0xce: {  	s4 =	sadd.s32 $0x2000, s25;
	[sflag:s21] =	ssyncadd.s32 $0xFFFF8000;
	(pc) =	sbr.rel @p0 .LBB2_4-.Ltmp2, $4  }
0xcf: {  	[hbm4b:s4+s3] =	stream.linear.scatter [tilespmem:s29], [sflag:$0x6], $0x8000, $0x38;
	[tilespmem:$0x18200] =	vst v63  }
0xd0: {  	_ =	swait.ge [sflag:s0], $0x8000  }
0xd1: {  	[sflag:s0] =	ssyncset.done $0x0  }
0xd2: {  	[sflag:s0] =	ssyncadd.s32 $0xFFFF8000  }
0xd3: {  	s4 =	sshra.s32 s23, $0x2  }
0xd4: {  	v2 =	vld.msk [tilespmem:s4+$0x18], $0xff;
	_ =	sdelay $0x4  }
0xd5: {  	v3 =	vshll.u32 v2, $0x5  }
0xd6: {  	v2 =	vand.u32 $0x7, v2;
	v3 =	vand.u32 $0xFFFFFF00, v3  }
0xd7: {  	v2 =	vor.u32 v2, v3  }
0xd8: {  	v2 =	vperm.xlane v2, v0;
	_ =	sdelay $0x1  }
0xd9: {  	v2 =	vadd.s32 v1, v2;
	_ =	sdelay $0x4  }
0xda: {  	[tilespmem:s24], [sflag:$0x1] =	stream.indirect_vreg.gather [hbm4b:s1+s3], $0x80, v2, vm0, $0xb8;
	[tilespmem:$0x18200] =	vst v63  }
0xdb: {  	s30 =	simm.s32 $0xA00  }
0xdc: {  	[tilespmem:s30], [sflag:$0x1] =	stream.indirect_vreg.gather [hbm4b:s5+s3], $0x80, v2, vm0, $0xb8;
	[tilespmem:$0x18200] =	vst v63  }
0xdd: {  	s30 =	simm.s32 $0x1200  }
0xde: {  	[tilespmem:s30], [sflag:$0x1] =	stream.indirect_vreg.gather [hbm4b:s6+s3], $0x80, v2, vm0, $0xb8;
	[tilespmem:$0x18200] =	vst v63  }
0xdf: {  	s26 =	simm.s32 $0x1A00  }
0xe0: {  	[tilespmem:s26], [sflag:$0x1] =	stream.indirect_vreg.gather [hbm4b:s7+s3], $0x80, v2, vm0, $0xb8;
	[tilespmem:$0x18200] =	vst v63  }
0xe1: {  	s30 =	simm.s32 $0x2200  }
0xe2: {  	[tilespmem:s30], [sflag:$0x1] =	stream.indirect_vreg.gather [hbm4b:s8+s3], $0x80, v2, vm0, $0xb8;
	[tilespmem:$0x18200] =	vst v63  }
0xe3: {  	s24 =	simm.s32 $0x2A00  }
0xe4: {  	[tilespmem:s24], [sflag:$0x1] =	stream.indirect_vreg.gather [hbm4b:s9+s3], $0x80, v2, vm0, $0xb8;
	[tilespmem:$0x18200] =	vst v63  }
0xe5: {  	s26 =	simm.s32 $0x3200  }
0xe6: {  	[tilespmem:s26], [sflag:$0x1] =	stream.indirect_vreg.gather [hbm4b:s10+s3], $0x80, v2, vm0, $0xb8;
	[tilespmem:$0x18200] =	vst v63  }
0xe7: {  	s24 =	simm.s32 $0x3A00  }
0xe8: {  	[tilespmem:s24], [sflag:$0x1] =	stream.indirect_vreg.gather [hbm4b:s11+s3], $0x80, v2, vm0, $0xb8;
	[tilespmem:$0x18200] =	vst v63  }
0xe9: {  	s24 =	simm.s32 $0x4200  }
0xea: {  	[tilespmem:s24], [sflag:$0x1] =	stream.indirect_vreg.gather [hbm4b:s12+s3], $0x80, v2, vm0, $0xb8;
	[tilespmem:$0x18200] =	vst v63  }
0xeb: {  	s24 =	simm.s32 $0x4A00  }
0xec: {  	[tilespmem:s24], [sflag:$0x1] =	stream.indirect_vreg.gather [hbm4b:s13+s3], $0x80, v2, vm0, $0xb8;
	[tilespmem:$0x18200] =	vst v63  }
0xed: {  	s24 =	simm.s32 $0x5200  }
0xee: {  	[tilespmem:s24], [sflag:$0x1] =	stream.indirect_vreg.gather [hbm4b:s14+s3], $0x80, v2, vm0, $0xb8;
	[tilespmem:$0x18200] =	vst v63  }
0xef: {  	s24 =	simm.s32 $0x5A00  }
0xf0: {  	[tilespmem:s24], [sflag:$0x1] =	stream.indirect_vreg.gather [hbm4b:s15+s3], $0x80, v2, vm0, $0xb8;
	[tilespmem:$0x18200] =	vst v63  }
0xf1: {  	s24 =	simm.s32 $0x6200  }
0xf2: {  	[tilespmem:s24], [sflag:$0x1] =	stream.indirect_vreg.gather [hbm4b:s16+s3], $0x80, v2, vm0, $0xb8;
	[tilespmem:$0x18200] =	vst v63  }
0xf3: {  	s24 =	simm.s32 $0x6A00  }
0xf4: {  	[tilespmem:s24], [sflag:$0x1] =	stream.indirect_vreg.gather [hbm4b:s17+s3], $0x80, v2, vm0, $0xb8;
	[tilespmem:$0x18200] =	vst v63  }
0xf5: {  	s24 =	simm.s32 $0x7200  }
0xf6: {  	[tilespmem:s24], [sflag:$0x1] =	stream.indirect_vreg.gather [hbm4b:s18+s3], $0x80, v2, vm0, $0xb8;
	[tilespmem:$0x18200] =	vst v63  }
0xf7: {  	s24 =	simm.s32 $0x7A00  }
0xf8: {  	[tilespmem:s24], [sflag:$0x1] =	stream.indirect_vreg.gather [hbm4b:s19+s3], $0x80, v2, vm0, $0xb8;
	[tilespmem:$0x18200] =	vst v63  }
0xf9: {  	_ =	swait.ge [sflag:s22], $0x8000  }
0xfa: {  	[sflag:s22] =	ssyncset.done $0x0  }
0xfb: {  	[sflag:s22] =	ssyncadd.s32 $0xFFFF8000  }
0xfc: {  	v2 =	vld.msk [tilespmem:s4+$0x20], $0xff;
	_ =	sdelay $0x4  }
0xfd: {  	v3 =	vshll.u32 v2, $0x5  }
0xfe: {  	v2 =	vand.u32 $0x7, v2;
	v3 =	vand.u32 $0xFFFFFF00, v3  }
0xff: {  	v2 =	vor.u32 v2, v3  }
0x100: {  	v2 =	vperm.xlane v2, v0;
	_ =	sdelay $0x1  }
0x101: {  	v2 =	vadd.s32 v1, v2;
	_ =	sdelay $0x4  }
0x102: {  	[tilespmem:s28], [sflag:$0x2] =	stream.indirect_vreg.gather [hbm4b:s1+s3], $0x80, v2, vm0, $0xb8;
	[tilespmem:$0x18200] =	vst v63  }
0x103: {  	s24 =	simm.s32 $0x8A00  }
0x104: {  	[tilespmem:s24], [sflag:$0x2] =	stream.indirect_vreg.gather [hbm4b:s5+s3], $0x80, v2, vm0, $0xb8;
	[tilespmem:$0x18200] =	vst v63  }
0x105: {  	s24 =	simm.s32 $0x9200  }
0x106: {  	[tilespmem:s24], [sflag:$0x2] =	stream.indirect_vreg.gather [hbm4b:s6+s3], $0x80, v2, vm0, $0xb8;
	[tilespmem:$0x18200] =	vst v63  }
0x107: {  	s24 =	simm.s32 $0x9A00  }
0x108: {  	[tilespmem:s24], [sflag:$0x2] =	stream.indirect_vreg.gather [hbm4b:s7+s3], $0x80, v2, vm0, $0xb8;
	[tilespmem:$0x18200] =	vst v63  }
0x109: {  	s24 =	simm.s32 $0xA200  }
0x10a: {  	[tilespmem:s24], [sflag:$0x2] =	stream.indirect_vreg.gather [hbm4b:s8+s3], $0x80, v2, vm0, $0xb8;
	[tilespmem:$0x18200] =	vst v63  }
0x10b: {  	s24 =	simm.s32 $0xAA00  }
0x10c: {  	[tilespmem:s24], [sflag:$0x2] =	stream.indirect_vreg.gather [hbm4b:s9+s3], $0x80, v2, vm0, $0xb8;
	[tilespmem:$0x18200] =	vst v63  }
0x10d: {  	s24 =	simm.s32 $0xB200  }
0x10e: {  	[tilespmem:s24], [sflag:$0x2] =	stream.indirect_vreg.gather [hbm4b:s10+s3], $0x80, v2, vm0, $0xb8;
	[tilespmem:$0x18200] =	vst v63  }
0x10f: {  	s24 =	simm.s32 $0xBA00  }
0x110: {  	[tilespmem:s24], [sflag:$0x2] =	stream.indirect_vreg.gather [hbm4b:s11+s3], $0x80, v2, vm0, $0xb8;
	[tilespmem:$0x18200] =	vst v63  }
0x111: {  	s24 =	simm.s32 $0xC200  }
0x112: {  	[tilespmem:s24], [sflag:$0x2] =	stream.indirect_vreg.gather [hbm4b:s12+s3], $0x80, v2, vm0, $0xb8;
	[tilespmem:$0x18200] =	vst v63  }
0x113: {  	s24 =	simm.s32 $0xCA00  }
0x114: {  	[tilespmem:s24], [sflag:$0x2] =	stream.indirect_vreg.gather [hbm4b:s13+s3], $0x80, v2, vm0, $0xb8;
	[tilespmem:$0x18200] =	vst v63  }
0x115: {  	s24 =	simm.s32 $0xD200  }
0x116: {  	[tilespmem:s24], [sflag:$0x2] =	stream.indirect_vreg.gather [hbm4b:s14+s3], $0x80, v2, vm0, $0xb8;
	[tilespmem:$0x18200] =	vst v63  }
0x117: {  	s24 =	simm.s32 $0xDA00  }
0x118: {  	[tilespmem:s24], [sflag:$0x2] =	stream.indirect_vreg.gather [hbm4b:s15+s3], $0x80, v2, vm0, $0xb8;
	[tilespmem:$0x18200] =	vst v63  }
0x119: {  	s24 =	simm.s32 $0xE200  }
0x11a: {  	[tilespmem:s24], [sflag:$0x2] =	stream.indirect_vreg.gather [hbm4b:s16+s3], $0x80, v2, vm0, $0xb8;
	[tilespmem:$0x18200] =	vst v63  }
0x11b: {  	s24 =	simm.s32 $0xEA00  }
0x11c: {  	[tilespmem:s24], [sflag:$0x2] =	stream.indirect_vreg.gather [hbm4b:s17+s3], $0x80, v2, vm0, $0xb8;
	[tilespmem:$0x18200] =	vst v63  }
0x11d: {  	s24 =	simm.s32 $0xF200  }
0x11e: {  	[tilespmem:s24], [sflag:$0x2] =	stream.indirect_vreg.gather [hbm4b:s18+s3], $0x80, v2, vm0, $0xb8;
	[tilespmem:$0x18200] =	vst v63  }
0x11f: {  	s24 =	simm.s32 $0xFA00  }
0x120: {  	[tilespmem:s24], [sflag:$0x2] =	stream.indirect_vreg.gather [hbm4b:s19+s3], $0x80, v2, vm0, $0xb8;
	[tilespmem:$0x18200] =	vst v63  }
0x121: {  	_ =	swait.ge [sflag:s2], $0x8000  }
0x122: {  	[sflag:s2] =	ssyncset.done $0x0  }
0x123: {  	[sflag:s2] =	ssyncadd.s32 $0xFFFF8000  }
0x124: {  	v2 =	vld.msk [tilespmem:s4+$0x28], $0xff;
	_ =	sdelay $0x4  }
0x125: {  	v3 =	vshll.u32 v2, $0x5  }
0x126: {  	v2 =	vand.u32 $0x7, v2;
	v3 =	vand.u32 $0xFFFFFF00, v3  }
0x127: {  	v2 =	vor.u32 v2, v3  }
0x128: {  	v2 =	vperm.xlane v2, v0;
	_ =	sdelay $0x1  }
0x129: {  	v2 =	vadd.s32 v1, v2;
	_ =	sdelay $0x4  }
0x12a: {  	[tilespmem:s29], [sflag:$0x3] =	stream.indirect_vreg.gather [hbm4b:s1+s3], $0x80, v2, vm0, $0xb8;
	[tilespmem:$0x18200] =	vst v63  }
0x12b: {  	s24 =	simm.s32 $0x10A00  }
0x12c: {  	[tilespmem:s24], [sflag:$0x3] =	stream.indirect_vreg.gather [hbm4b:s5+s3], $0x80, v2, vm0, $0xb8;
	[tilespmem:$0x18200] =	vst v63  }
0x12d: {  	s24 =	simm.s32 $0x11200  }
0x12e: {  	[tilespmem:s24], [sflag:$0x3] =	stream.indirect_vreg.gather [hbm4b:s6+s3], $0x80, v2, vm0, $0xb8;
	[tilespmem:$0x18200] =	vst v63  }
0x12f: {  	s24 =	simm.s32 $0x11A00  }
0x130: {  	[tilespmem:s24], [sflag:$0x3] =	stream.indirect_vreg.gather [hbm4b:s7+s3], $0x80, v2, vm0, $0xb8;
	[tilespmem:$0x18200] =	vst v63  }
0x131: {  	s24 =	simm.s32 $0x12200  }
0x132: {  	[tilespmem:s24], [sflag:$0x3] =	stream.indirect_vreg.gather [hbm4b:s8+s3], $0x80, v2, vm0, $0xb8;
	[tilespmem:$0x18200] =	vst v63  }
0x133: {  	s24 =	simm.s32 $0x12A00  }
0x134: {  	[tilespmem:s24], [sflag:$0x3] =	stream.indirect_vreg.gather [hbm4b:s9+s3], $0x80, v2, vm0, $0xb8;
	[tilespmem:$0x18200] =	vst v63  }
0x135: {  	s24 =	simm.s32 $0x13200  }
0x136: {  	[tilespmem:s24], [sflag:$0x3] =	stream.indirect_vreg.gather [hbm4b:s10+s3], $0x80, v2, vm0, $0xb8;
	[tilespmem:$0x18200] =	vst v63  }
0x137: {  	s24 =	simm.s32 $0x13A00  }
0x138: {  	[tilespmem:s24], [sflag:$0x3] =	stream.indirect_vreg.gather [hbm4b:s11+s3], $0x80, v2, vm0, $0xb8;
	[tilespmem:$0x18200] =	vst v63  }
0x139: {  	s24 =	simm.s32 $0x14200  }
0x13a: {  	[tilespmem:s24], [sflag:$0x3] =	stream.indirect_vreg.gather [hbm4b:s12+s3], $0x80, v2, vm0, $0xb8;
	[tilespmem:$0x18200] =	vst v63  }
0x13b: {  	s24 =	simm.s32 $0x14A00  }
0x13c: {  	[tilespmem:s24], [sflag:$0x3] =	stream.indirect_vreg.gather [hbm4b:s13+s3], $0x80, v2, vm0, $0xb8;
	[tilespmem:$0x18200] =	vst v63  }
0x13d: {  	s24 =	simm.s32 $0x15200  }
0x13e: {  	[tilespmem:s24], [sflag:$0x3] =	stream.indirect_vreg.gather [hbm4b:s14+s3], $0x80, v2, vm0, $0xb8;
	[tilespmem:$0x18200] =	vst v63  }
0x13f: {  	s24 =	simm.s32 $0x15A00  }
0x140: {  	[tilespmem:s24], [sflag:$0x3] =	stream.indirect_vreg.gather [hbm4b:s15+s3], $0x80, v2, vm0, $0xb8;
	[tilespmem:$0x18200] =	vst v63  }
0x141: {  	s24 =	simm.s32 $0x16200  }
0x142: {  	[tilespmem:s24], [sflag:$0x3] =	stream.indirect_vreg.gather [hbm4b:s16+s3], $0x80, v2, vm0, $0xb8;
	[tilespmem:$0x18200] =	vst v63  }
0x143: {  	s24 =	simm.s32 $0x16A00  }
0x144: {  	[tilespmem:s24], [sflag:$0x3] =	stream.indirect_vreg.gather [hbm4b:s17+s3], $0x80, v2, vm0, $0xb8;
	[tilespmem:$0x18200] =	vst v63  }
.Ltmp3:
0x145: {  	_ = 	snop;
	(pc) =	sbr.rel .LBB2_2-.Ltmp3, $4  }
0x146: {  	s24 =	simm.s32 $0x17200  }
0x147: {  	[tilespmem:s24], [sflag:$0x3] =	stream.indirect_vreg.gather [hbm4b:s18+s3], $0x80, v2, vm0, $0xb8;
	[tilespmem:$0x18200] =	vst v63  }
0x148: {  	s25 =	sadd.s32 $0x3000, s25;
	s23 =	sadd.s32 $0x60, s23;
	s24 =	simm.s32 $0x17A00  }
0x149: {  	[tilespmem:s24], [sflag:$0x3] =	stream.indirect_vreg.gather [hbm4b:s19+s3], $0x80, v2, vm0, $0xb8;
	[tilespmem:$0x18200] =	vst v63  }
.LBB2_5:
0x14a: {  	_ =	sfence.sel $0x180000  }
0x14b: {  	[bflag:$0x0] =	sbarrier.arrive $0xFFFF  }
0x14c: {  	_ =	strace $0x90000047  }
0x14d: {  	s0 =	stileid.u32;
	[bflag:$0x2] =	sbarrier.arrive $0xFFFF  }
0x14e: {  	p0 =	sne.s32 s0, $0x0;
	s0 =	rddreg [dreg:$0x3]  }
0x14f: {  	s0 =	sadd.s32 @!p0 $0x100000, s0  }
0x150: {  	[sflag:s0] =	ssyncadd.tile.s32 @!p0 $0x1;
	_ =	shalt  }
.Lfunc_end2:
_tile_overlayer_lowered:
.L_overlay_start_2:
0x151: {  	(tag) =	ssettag $0x2  }
0x152: {  	s0 =	rddreg [dreg:$0x0];
	s2 =	stileid.u32  }
0x153: {  	s1 =	rddreg [dreg:$0x1];
	p0 =	sne.s32 s2, $0x0  }
0x154: {  	s3 =	rddreg [dreg:$0x2];
	[bflag:$0x3] =	sbarrier.arrive $0xFFFF;
	s2 =	simm.s32 @!p0 $0x1C07  }
0x155: {  	[timem:s3], [sflag:s2] =	dma.local @!p0 [hbm:s0], s1  }
0x156: {  	s0 =	simm.s32 @!p0 $0x7  }
0x157: {  	_ =	swait.ge @!p0 [sflag:s0], s1  }
0x158: {  	s1 =	ssub.s32 @!p0 $0x0, s1;
	[sflag:s0] =	ssyncset.done @!p0 $0x0  }
0x159: {  	[sflag:s0] =	ssyncadd.s32 @!p0 s1  }
0x15a: {  	[bflag:$0x3] =	sbarrier.arrive $0xFFFF  }
0x15b: {  	_ =	shalt  }

</sc_bundles>
